<compile_context>
chip_gen: v7x
topology: tpu7x:2x2x1
jax: 0.10.2.dev20260603
libtpu: 0.0.44.dev20260713+nightly
codegen_flags: <defaults>
</compile_context>

<pallas_src>
import functools

import jax
import jax.numpy as jnp
from jax import lax
from jax.experimental import pallas as pl
from jax.experimental.pallas import tpu as pltpu
from jax.experimental.pallas import tpu_sc as plsc

N = 100000
E = 6400000
DIM = 128
G = 256

_NC, _NS = 2, 16
_TILES = _NC * _NS
_B = 4096
_NOUT = 49
_ROWS = _TILES * _NOUT
_EP = _ROWS * _B
_D = 16
_ZR = 3136
_AGGR = _ZR * _NS
_XROWS = 200016

_TW = 8
_BN = 2000
_NB = N // _BN


def _sc_agg_build():
    mesh = plsc.VectorSubcoreMesh(core_axis_name="c", subcore_axis_name="s",
                                  num_cores=_NC, num_subcores=_NS)

    @functools.partial(
        pl.kernel,
        out_type=jax.ShapeDtypeStruct((_NC, _AGGR, _D), jnp.float32),
        mesh=mesh,
        scratch_types=[
            pltpu.VMEM((_B,), jnp.int32),
            pltpu.VMEM((_B,), jnp.int32),
            pltpu.VMEM((_B, _D), jnp.float32),
            pltpu.VMEM_SHARED((_AGGR, _D), jnp.float32),
            pltpu.SemaphoreType.DMA,
            pltpu.SemaphoreType.DMA,
        ],
        compiler_params=pltpu.CompilerParams(use_tc_tiling_on_sc=False),
    )
    def sc_agg(gidx_hbm, sidx_hbm, xtab_hbm, z_hbm, out_hbm,
               sbuf, dbuf, rbuf, aggsh, gsem, ssem):
        c = lax.axis_index("c")
        s = lax.axis_index("s")
        tid = s * _NC + c
        pltpu.sync_copy(z_hbm.at[pl.ds(s * _ZR, _ZR)],
                        aggsh.at[pl.ds(s * _ZR, _ZR)])
        plsc.subcore_barrier()

        def body(g, carry):
            base = (tid * _NOUT + g) * _B
            pltpu.sync_copy(gidx_hbm.at[pl.ds(base, _B)], sbuf)
            pltpu.sync_copy(sidx_hbm.at[pl.ds(base, _B)], dbuf)
            pltpu.async_copy(xtab_hbm.at[sbuf], rbuf, gsem).wait()
            pltpu.async_copy(rbuf, aggsh.at[dbuf], ssem, add=True).wait()
            return carry

        lax.fori_loop(0, _NOUT, body, 0)
        plsc.subcore_barrier()
        pltpu.sync_copy(aggsh.at[pl.ds(s * _ZR, _ZR)],
                        out_hbm.at[c, pl.ds(s * _ZR, _ZR)])

    return sc_agg


def _sc_agg_call(gidx, sidx, xtab, zeros16):
    return _sc_agg_build()(gidx, sidx, xtab, zeros16)


def _tc_body(x8_ref, agg_ref, bat_ref,
             W1_ref, b1_ref, W2_ref, b2_ref, W3_ref, b3_ref,
             Wg_ref, bg_ref, Wf_ref, bf_ref, gb_ref, bb_ref,
             out_ref, sums, sq, M, P, D):
    p = pl.program_id(0)
    i = pl.program_id(1)
    h0 = x8_ref[...] + agg_ref[0] + agg_ref[1]

    @pl.when((p == 0) & (i == 0))
    def _init():
        sums[...] = jnp.zeros_like(sums)
        sq[...] = jnp.zeros_like(sq)
        M[...] = jnp.full_like(M, -jnp.inf)
        P[...] = jnp.zeros_like(P)
        D[...] = jnp.zeros_like(D)

    @pl.when(p == 0)
    def _stats():
        sums[...] += jnp.sum(h0, axis=0, keepdims=True)
        sq[...] += jnp.sum(h0 * h0, axis=0, keepdims=True)

    @pl.when(p == 1)
    def _mlp():
        mean = sums[...] * (1.0 / N)
        var = sq[...] * (1.0 / N) - mean * mean
        hbn = (h0 - mean) * (gb_ref[...] * lax.rsqrt(var + 1e-5)) + bb_ref[...]
        h1 = jnp.maximum(jnp.dot(hbn, W1_ref[...],
                                 preferred_element_type=jnp.float32)
                         + b1_ref[...], 0.0)
        h2 = jnp.maximum(jnp.dot(h1, W2_ref[...],
                                 preferred_element_type=jnp.float32)
                         + b2_ref[...], 0.0)
        h3 = jnp.maximum(jnp.dot(h2, W3_ref[...],
                                 preferred_element_type=jnp.float32)
                         + b3_ref[...], 0.0)
        gate = jnp.dot(h3, Wg_ref[...],
                       preferred_element_type=jnp.float32) + bg_ref[...]
        oh = bat_ref[...] == lax.broadcasted_iota(jnp.int32, (_BN, G), 1)
        ohf = oh.astype(jnp.float32)
        m_b = jnp.max(jnp.where(oh, gate, -jnp.inf), axis=0, keepdims=True)
        m_new = jnp.maximum(M[...], m_b)
        scl = jnp.where(m_new == -jnp.inf, 1.0, jnp.exp(M[...] - m_new))
        m_node = jnp.max(jnp.where(oh, m_new, -jnp.inf), axis=1, keepdims=True)
        e = jnp.exp(gate - m_node)
        he = h3 * e
        dn = (((0,), (0,)), ((), ()))
        P[...] = P[...] * scl + lax.dot_general(
            he, ohf, dn, preferred_element_type=jnp.float32)
        D[...] = D[...] * scl + lax.dot_general(
            e, ohf, dn, preferred_element_type=jnp.float32)
        M[...] = m_new

    @pl.when((p == 1) & (i == _NB - 1))
    def _final():
        pooled = P[...] / jnp.maximum(D[...], 1e-16)
        out_ref[...] = lax.dot_general(
            pooled, Wf_ref[...], (((0,), (0,)), ((), ())),
            preferred_element_type=jnp.float32) + bf_ref[...]


def _tc_call(x8p, aggs8, batch_s, W1p, b1, W2, b2, W3, b3, Wg, bg, Wf, bf,
             gb8, bb8):
    f32 = jnp.float32
    full = lambda shape: pl.BlockSpec(shape, lambda p, i: tuple(0 for _ in shape))
    return pl.pallas_call(
        _tc_body,
        grid=(2, _NB),
        in_specs=[
            pl.BlockSpec((_BN, _TW), lambda p, i: (i, 0)),
            pl.BlockSpec((_NC, _BN, _TW), lambda p, i: (0, i, 0)),
            pl.BlockSpec((_BN, 1), lambda p, i: (i, 0)),
            full((_TW, DIM)), full((1, DIM)),
            full((DIM, DIM)), full((1, DIM)),
            full((DIM, DIM)), full((1, DIM)),
            full((DIM, 1)), full((1, 1)),
            full((DIM, 1)), full((1, 1)),
            full((1, _TW)), full((1, _TW)),
        ],
        out_specs=pl.BlockSpec((G, 1), lambda p, i: (0, 0)),
        out_shape=jax.ShapeDtypeStruct((G, 1), f32),
        scratch_shapes=[
            pltpu.VMEM((1, _TW), f32),
            pltpu.VMEM((1, _TW), f32),
            pltpu.VMEM((1, G), f32),
            pltpu.VMEM((DIM, G), f32),
            pltpu.VMEM((1, G), f32),
        ],
    )(x8p, aggs8, batch_s, W1p, b1, W2, b2, W3, b3, Wg, bg, Wf, bf, gb8, bb8)


def kernel(x, edge_index, batch, base, bn_gamma, bn_beta,
           W1, b1, W2, b2, W3, b3, Wg, bg, Wf, bf):
    f32 = jnp.float32
    pad_e = _EP - E
    src = edge_index[0]
    dst = edge_index[1]
    gidx = jnp.concatenate(
        [2 * src + (dst & 1), jnp.full((pad_e,), 2 * N, jnp.int32)])
    sidx = jnp.concatenate([dst >> 1, jnp.zeros((pad_e,), jnp.int32)])
    xtab = (jnp.zeros((_XROWS, _D), f32)
            .at[0:2 * N:2, 0:3].set(x)
            .at[1:2 * N + 1:2, 8:11].set(x))
    zeros16 = jnp.zeros((_AGGR, _D), f32)

    aggs = _sc_agg_call(gidx, sidx, xtab, zeros16)
    aggs8 = aggs.reshape(_NC, 2 * _AGGR, _TW)

    batch_s = batch.reshape(N, 1)
    x8p = jnp.zeros((N, _TW), f32).at[:, :3].set(x)
    W1p = jnp.zeros((_TW, DIM), f32).at[:3].set(W1)
    gb8 = jnp.ones((1, _TW), f32).at[0, :3].set(bn_gamma)
    bb8 = jnp.zeros((1, _TW), f32).at[0, :3].set(bn_beta)
    out = _tc_call(x8p, aggs8, batch_s,
                   W1p, b1.reshape(1, DIM), W2, b2.reshape(1, DIM),
                   W3, b3.reshape(1, DIM), Wg, bg.reshape(1, 1),
                   Wf, bf.reshape(1, 1), gb8, bb8)
    return out

# --- scband reference (transcript-rebuilt; emitter-appended) ---
"""Pipeline reference for scband-gnn-21689584845278 (READ-ONLY COPY).

The authoritative reference and input builder live on the scoring server;
editing this copy changes nothing except your own understanding.
"""

import jax, jax.numpy as jnp
import numpy as np

N = 100000
E = 6400000
DIM = 128
OUT = 1
G = 256


def _lin(k, fan_in, fan_out):
    bound = 1.0 / np.sqrt(fan_in)
    kw, kb = jax.random.split(k)
    W = jax.random.uniform(kw, (fan_in, fan_out), jnp.float32, -bound, bound)
    b = jax.random.uniform(kb, (fan_out,), jnp.float32, -bound, bound)
    return W, b


def setup_inputs(seed: int = 0):
    key = jax.random.key(seed)
    ks = jax.random.split(key, 10)
    x = jax.random.normal(ks[0], (N, 3), dtype=jnp.float32)
    edge_index = jax.random.randint(ks[1], (2, E), 0, N, dtype=jnp.int32)
    batch = jnp.sort(jax.random.randint(ks[2], (N,), 0, G, dtype=jnp.int32))
    base = jnp.zeros((N,), dtype=jnp.float32)
    bn_gamma = jnp.ones((3,), dtype=jnp.float32)
    bn_beta = jnp.zeros((3,), dtype=jnp.float32)
    W1, b1 = _lin(ks[3], 3, DIM)
    W2, b2 = _lin(ks[4], DIM, DIM)
    W3, b3 = _lin(ks[5], DIM, DIM)
    Wg, bg = _lin(ks[6], DIM, 1)
    Wf, bf = _lin(ks[7], DIM, OUT)
    return {"x": x, "edge_index": edge_index, "batch": batch, "base": base,
            "bn_gamma": bn_gamma, "bn_beta": bn_beta,
            "W1": W1, "b1": b1, "W2": W2, "b2": b2, "W3": W3, "b3": b3,
            "Wg": Wg, "bg": bg, "Wf": Wf, "bf": bf}


def reference(x, edge_index, batch, base, bn_gamma, bn_beta, W1, b1, W2, b2, W3, b3, Wg, bg, Wf, bf):
    # GINConv with eps=0: h_i = nn((1+eps)*x_i + sum_{j->i} x_j)
    src = edge_index[0]
    dst = edge_index[1]
    agg = jnp.zeros_like(x).at[dst].add(x[src])
    h = x + agg
    # BatchNorm1d(3) in training mode (batch statistics)
    mean = jnp.mean(h, axis=0)
    var = jnp.mean((h - mean) ** 2, axis=0)
    h = (h - mean) / jnp.sqrt(var + 1e-5) * bn_gamma + bn_beta
    # MLP of GIN kernel
    h = jnp.maximum(h @ W1 + b1, 0.0)
    h = jnp.maximum(h @ W2 + b2, 0.0)
    h = h @ W3 + b3
    # F.relu after conv
    h = jnp.maximum(h, 0.0)
    # AttentionalAggregation: segment softmax over gate_nn(h), weighted segment sum
    gate = (h @ Wg + bg)[:, 0]
    gmax = jax.ops.segment_max(gate, batch, num_segments=G)
    gmax = jnp.where(jnp.isfinite(gmax), gmax, 0.0)
    e = jnp.exp(gate - gmax[batch])
    denom = jax.ops.segment_sum(e, batch, num_segments=G)
    alpha = e / jnp.maximum(denom[batch], 1e-16)
    pooled = jax.ops.segment_sum(h * alpha[:, None], batch, num_segments=G)
    out = pooled @ Wf + bf
    return out

if __name__ == "__main__":
    import jax
    _d = setup_inputs()
    print(jax.jit(kernel)(*tuple(_d.values())))

</pallas_src>

<mosaic_0001>
#map = affine_map<(d0, d1) -> (0)>
#map1 = affine_map<(d0, d1) -> (0, 0)>
#map2 = affine_map<(d0, d1) -> (0, 0, 0)>
module attributes {stable_mosaic.version = 14 : i64} {
  func.func @sc_agg(%arg0: i32, %arg1: i32, %arg2: memref<6422528xi32, #tpu.memory_space<hbm>>, %arg3: memref<6422528xi32, #tpu.memory_space<hbm>>, %arg4: memref<200016x16xf32, #tpu.memory_space<hbm>>, %arg5: memref<50176x16xf32, #tpu.memory_space<hbm>>, %arg6: memref<2x50176x16xf32, #tpu.memory_space<hbm>>, %arg7: memref<4096xi32, #tpu.memory_space<vmem>>, %arg8: memref<4096xi32, #tpu.memory_space<vmem>>, %arg9: memref<4096x16xf32, #tpu.memory_space<vmem>>, %arg10: memref<50176x16xf32, #tpu.memory_space<vmem_shared>>, %arg11: memref<!tpu.dma_semaphore, #tpu.memory_space<semaphore_mem>>, %arg12: memref<!tpu.dma_semaphore, #tpu.memory_space<semaphore_mem>>) attributes {dimension_semantics = [#tpu.dimension_semantics<core_parallel>, #tpu.dimension_semantics<subcore_parallel>], iteration_bounds = array<i64: 2, 16>, scalar_prefetch = 0 : i64, scratch_operands = 6 : i64, tpu.core_type = #tpu.core_type<sc_vector_subcore>, window_params = [{transform_indices = #map}, {transform_indices = #map}, {transform_indices = #map1}, {transform_indices = #map1}, {transform_indices = #map2}]} {
    %mul3A = arith.constant 2 : i32
    %mul3A_0 = arith.muli %arg1, %mul3A : i32
    %add3A = arith.addi %mul3A_0, %arg0 : i32
    %mul3A_1 = arith.constant 3136 : i32
    %mul3A_2 = arith.muli %arg1, %mul3A_1 : i32
    %mul3A_3 = arith.constant 3136 : i32
    %mul3A_4 = arith.muli %arg1, %mul3A_3 : i32
    "tpu.region"() ({
      %run_scoped3A = tpu.sem_alloc : memref<!tpu.dma_semaphore, #tpu.memory_space<semaphore_mem>>
      %dma_start3A = arith.constant 0 : i32
      %dma_start3A_15 = tpu.memref_slice %arg10[%mul3A_4, %dma_start3A] : memref<50176x16xf32, #tpu.memory_space<vmem_shared>> -> memref<3136x16xf32, #tpu.memory_space<vmem_shared>>
      %dma_start3A_16 = arith.constant 0 : i32
      %dma_start3A_17 = tpu.memref_slice %arg5[%mul3A_2, %dma_start3A_16] : memref<50176x16xf32, #tpu.memory_space<hbm>> -> memref<3136x16xf32, #tpu.memory_space<hbm>>
      tpu.enqueue_dma source(%dma_start3A_17 : memref<3136x16xf32, #tpu.memory_space<hbm>>) target(%dma_start3A_15 : memref<3136x16xf32, #tpu.memory_space<vmem_shared>>) target_semaphore(%run_scoped3A : memref<!tpu.dma_semaphore, #tpu.memory_space<semaphore_mem>>)
      %dma_wait3A = arith.constant 0 : i32
      %dma_wait3A_18 = tpu.memref_slice %arg10[%mul3A_4, %dma_wait3A] : memref<50176x16xf32, #tpu.memory_space<vmem_shared>> -> memref<3136x16xf32, #tpu.memory_space<vmem_shared>>
      %dma_wait3A_19 = arith.constant 0 : i32
      %dma_wait3A_20 = tpu.memref_slice %arg5[%mul3A_2, %dma_wait3A_19] : memref<50176x16xf32, #tpu.memory_space<hbm>> -> memref<3136x16xf32, #tpu.memory_space<hbm>>
      tpu.wait_dma2 semaphore(%run_scoped3A : memref<!tpu.dma_semaphore, #tpu.memory_space<semaphore_mem>>) src(%dma_wait3A_20 : memref<3136x16xf32, #tpu.memory_space<hbm>>) dst(%dma_wait3A_18 : memref<3136x16xf32, #tpu.memory_space<vmem_shared>>)
      tpu.yield
    }) : () -> ()
    %barrier3A = arith.constant 0 : index
    tpu.barrier barrier_id(%barrier3A)
    %scan3A = arith.constant 0 : i32
    %scan3A_5 = arith.constant 0 : i32
    %scan3A_6 = arith.constant 49 : i32
    %scan3A_7 = arith.addi %scan3A_5, %scan3A_6 : i32
    %scan3A_8 = arith.constant 1 : i32
    scf.for %scan3A_15 = %scan3A_5 to %scan3A_7 step %scan3A_8  : i32 {
      %mul3A_16 = arith.constant 49 : i32
      %mul3A_17 = arith.muli %add3A, %mul3A_16 : i32
      %add3A_18 = arith.addi %mul3A_17, %scan3A_15 : i32
      %mul3A_19 = arith.constant 4096 : i32
      %mul3A_20 = arith.muli %add3A_18, %mul3A_19 : i32
      "tpu.region"() ({
        %run_scoped3A = tpu.sem_alloc : memref<!tpu.dma_semaphore, #tpu.memory_space<semaphore_mem>>
        %dma_start3A_31 = tpu.memref_slice %arg2[%mul3A_20] : memref<6422528xi32, #tpu.memory_space<hbm>> -> memref<4096xi32, #tpu.memory_space<hbm>>
        %dma_start3A_32 = tpu.memref_slice %arg2[%mul3A_20] : memref<6422528xi32, #tpu.memory_space<hbm>> -> memref<4096xi32, #tpu.memory_space<hbm>>
        tpu.enqueue_dma source(%dma_start3A_32 : memref<4096xi32, #tpu.memory_space<hbm>>) target(%arg7 : memref<4096xi32, #tpu.memory_space<vmem>>) target_semaphore(%run_scoped3A : memref<!tpu.dma_semaphore, #tpu.memory_space<semaphore_mem>>)
        %dma_wait3A_33 = tpu.memref_slice %arg2[%mul3A_20] : memref<6422528xi32, #tpu.memory_space<hbm>> -> memref<4096xi32, #tpu.memory_space<hbm>>
        %dma_wait3A_34 = tpu.memref_slice %arg2[%mul3A_20] : memref<6422528xi32, #tpu.memory_space<hbm>> -> memref<4096xi32, #tpu.memory_space<hbm>>
        tpu.wait_dma2 semaphore(%run_scoped3A : memref<!tpu.dma_semaphore, #tpu.memory_space<semaphore_mem>>) src(%dma_wait3A_34 : memref<4096xi32, #tpu.memory_space<hbm>>) dst(%arg7 : memref<4096xi32, #tpu.memory_space<vmem>>)
        tpu.yield
      }) : () -> ()
      "tpu.region"() ({
        %run_scoped3A = tpu.sem_alloc : memref<!tpu.dma_semaphore, #tpu.memory_space<semaphore_mem>>
        %dma_start3A_31 = tpu.memref_slice %arg3[%mul3A_20] : memref<6422528xi32, #tpu.memory_space<hbm>> -> memref<4096xi32, #tpu.memory_space<hbm>>
        %dma_start3A_32 = tpu.memref_slice %arg3[%mul3A_20] : memref<6422528xi32, #tpu.memory_space<hbm>> -> memref<4096xi32, #tpu.memory_space<hbm>>
        tpu.enqueue_dma source(%dma_start3A_32 : memref<4096xi32, #tpu.memory_space<hbm>>) target(%arg8 : memref<4096xi32, #tpu.memory_space<vmem>>) target_semaphore(%run_scoped3A : memref<!tpu.dma_semaphore, #tpu.memory_space<semaphore_mem>>)
        %dma_wait3A_33 = tpu.memref_slice %arg3[%mul3A_20] : memref<6422528xi32, #tpu.memory_space<hbm>> -> memref<4096xi32, #tpu.memory_space<hbm>>
        %dma_wait3A_34 = tpu.memref_slice %arg3[%mul3A_20] : memref<6422528xi32, #tpu.memory_space<hbm>> -> memref<4096xi32, #tpu.memory_space<hbm>>
        tpu.wait_dma2 semaphore(%run_scoped3A : memref<!tpu.dma_semaphore, #tpu.memory_space<semaphore_mem>>) src(%dma_wait3A_34 : memref<4096xi32, #tpu.memory_space<hbm>>) dst(%arg8 : memref<4096xi32, #tpu.memory_space<vmem>>)
        tpu.yield
      }) : () -> ()
      %dma_start3A = arith.constant 0 : i32
      %dma_start3A_21 = arith.constant 0 : i32
      %dma_start3A_22 = tpu.memref_slice %arg4[%dma_start3A, %dma_start3A_21] : memref<200016x16xf32, #tpu.memory_space<hbm>> -> memref<200016x16xf32, #tpu.memory_space<hbm>>
      tpu.enqueue_indirect_dma source(%dma_start3A_22 : memref<200016x16xf32, #tpu.memory_space<hbm>>) target(%arg9 : memref<4096x16xf32, #tpu.memory_space<vmem>>) offsets(%arg7 : memref<4096xi32, #tpu.memory_space<vmem>>) semaphore(%arg11 : memref<!tpu.dma_semaphore, #tpu.memory_space<semaphore_mem>>)
      %dma_wait3A = arith.constant 0 : i32
      %dma_wait3A_23 = arith.constant 0 : i32
      %dma_wait3A_24 = tpu.memref_slice %arg4[%dma_wait3A, %dma_wait3A_23] : memref<200016x16xf32, #tpu.memory_space<hbm>> -> memref<200016x16xf32, #tpu.memory_space<hbm>>
      tpu.wait_indirect_dma semaphore(%arg11 : memref<!tpu.dma_semaphore, #tpu.memory_space<semaphore_mem>>) src(%dma_wait3A_24 : memref<200016x16xf32, #tpu.memory_space<hbm>>) dst(%arg9 : memref<4096x16xf32, #tpu.memory_space<vmem>>)
      %dma_start3A_25 = arith.constant 0 : i32
      %dma_start3A_26 = arith.constant 0 : i32
      %dma_start3A_27 = tpu.memref_slice %arg10[%dma_start3A_25, %dma_start3A_26] : memref<50176x16xf32, #tpu.memory_space<vmem_shared>> -> memref<50176x16xf32, #tpu.memory_space<vmem_shared>>
      tpu.enqueue_indirect_dma source(%arg9 : memref<4096x16xf32, #tpu.memory_space<vmem>>) target(%dma_start3A_27 : memref<50176x16xf32, #tpu.memory_space<vmem_shared>>) offsets(%arg8 : memref<4096xi32, #tpu.memory_space<vmem>>) semaphore(%arg12 : memref<!tpu.dma_semaphore, #tpu.memory_space<semaphore_mem>>) {add = true}
      %dma_wait3A_28 = arith.constant 0 : i32
      %dma_wait3A_29 = arith.constant 0 : i32
      %dma_wait3A_30 = tpu.memref_slice %arg10[%dma_wait3A_28, %dma_wait3A_29] : memref<50176x16xf32, #tpu.memory_space<vmem_shared>> -> memref<50176x16xf32, #tpu.memory_space<vmem_shared>>
      tpu.wait_indirect_dma semaphore(%arg12 : memref<!tpu.dma_semaphore, #tpu.memory_space<semaphore_mem>>) src(%arg9 : memref<4096x16xf32, #tpu.memory_space<vmem>>) dst(%dma_wait3A_30 : memref<50176x16xf32, #tpu.memory_space<vmem_shared>>)
    }
    %scan3A_9 = arith.constant 49 : i32
    %barrier3A_10 = arith.constant 0 : index
    tpu.barrier barrier_id(%barrier3A_10)
    %mul3A_11 = arith.constant 3136 : i32
    %mul3A_12 = arith.muli %arg1, %mul3A_11 : i32
    %mul3A_13 = arith.constant 3136 : i32
    %mul3A_14 = arith.muli %arg1, %mul3A_13 : i32
    "tpu.region"() ({
      %run_scoped3A = tpu.sem_alloc : memref<!tpu.dma_semaphore, #tpu.memory_space<semaphore_mem>>
      %dma_start3A = arith.constant 0 : i32
      %dma_start3A_15 = tpu.memref_slice %arg6[%arg0, %mul3A_14, %dma_start3A] : memref<2x50176x16xf32, #tpu.memory_space<hbm>> -> memref<1x3136x16xf32, #tpu.memory_space<hbm>>
      %dma_start3A_16 = tpu.memref_squeeze %dma_start3A_15 : memref<1x3136x16xf32, #tpu.memory_space<hbm>> -> memref<3136x16xf32, #tpu.memory_space<hbm>>
      %dma_start3A_17 = arith.constant 0 : i32
      %dma_start3A_18 = tpu.memref_slice %arg10[%mul3A_12, %dma_start3A_17] : memref<50176x16xf32, #tpu.memory_space<vmem_shared>> -> memref<3136x16xf32, #tpu.memory_space<vmem_shared>>
      tpu.enqueue_dma source(%dma_start3A_18 : memref<3136x16xf32, #tpu.memory_space<vmem_shared>>) target(%dma_start3A_16 : memref<3136x16xf32, #tpu.memory_space<hbm>>) target_semaphore(%run_scoped3A : memref<!tpu.dma_semaphore, #tpu.memory_space<semaphore_mem>>)
      %dma_wait3A = arith.constant 0 : i32
      %dma_wait3A_19 = tpu.memref_slice %arg6[%arg0, %mul3A_14, %dma_wait3A] : memref<2x50176x16xf32, #tpu.memory_space<hbm>> -> memref<1x3136x16xf32, #tpu.memory_space<hbm>>
      %dma_wait3A_20 = tpu.memref_squeeze %dma_wait3A_19 : memref<1x3136x16xf32, #tpu.memory_space<hbm>> -> memref<3136x16xf32, #tpu.memory_space<hbm>>
      %dma_wait3A_21 = arith.constant 0 : i32
      %dma_wait3A_22 = tpu.memref_slice %arg10[%mul3A_12, %dma_wait3A_21] : memref<50176x16xf32, #tpu.memory_space<vmem_shared>> -> memref<3136x16xf32, #tpu.memory_space<vmem_shared>>
      tpu.wait_dma2 semaphore(%run_scoped3A : memref<!tpu.dma_semaphore, #tpu.memory_space<semaphore_mem>>) src(%dma_wait3A_22 : memref<3136x16xf32, #tpu.memory_space<vmem_shared>>) dst(%dma_wait3A_20 : memref<3136x16xf32, #tpu.memory_space<hbm>>)
      tpu.yield
    }) : () -> ()
    return
  }
}

module attributes {stable_mosaic.version = 14 : i64} {
  func.func @_tc_body(%arg0: i32, %arg1: i32, %arg2: memref<2000x8xf32, #tpu.memory_space<vmem>>, %arg3: memref<2x2000x8xf32, #tpu.memory_space<vmem>>, %arg4: memref<2000x1xi32, #tpu.memory_space<vmem>>, %arg5: memref<8x128xf32, #tpu.memory_space<vmem>>, %arg6: memref<1x128xf32, #tpu.memory_space<vmem>>, %arg7: memref<128x128xf32, #tpu.memory_space<vmem>>, %arg8: memref<1x128xf32, #tpu.memory_space<vmem>>, %arg9: memref<128x128xf32, #tpu.memory_space<vmem>>, %arg10: memref<1x128xf32, #tpu.memory_space<vmem>>, %arg11: memref<128x1xf32, #tpu.memory_space<vmem>>, %arg12: memref<1x1xf32, #tpu.memory_space<vmem>>, %arg13: memref<128x1xf32, #tpu.memory_space<vmem>>, %arg14: memref<1x1xf32, #tpu.memory_space<vmem>>, %arg15: memref<1x8xf32, #tpu.memory_space<vmem>>, %arg16: memref<1x8xf32, #tpu.memory_space<vmem>>, %arg17: memref<256x1xf32, #tpu.memory_space<vmem>>, %arg18: memref<1x8xf32, #tpu.memory_space<vmem>>, %arg19: memref<1x8xf32, #tpu.memory_space<vmem>>, %arg20: memref<1x256xf32, #tpu.memory_space<vmem>>, %arg21: memref<128x256xf32, #tpu.memory_space<vmem>>, %arg22: memref<1x256xf32, #tpu.memory_space<vmem>>) attributes {dimension_semantics = [#tpu.dimension_semantics<arbitrary>, #tpu.dimension_semantics<arbitrary>], iteration_bounds = array<i64: 2, 50>, scalar_prefetch = 0 : i64, scratch_operands = 5 : i64, tpu.core_type = #tpu.core_type<tc>, window_params = [{transform_indices = @transform_0, window_bounds = array<i64: 2000, 8>}, {transform_indices = @transform_1, window_bounds = array<i64: 2, 2000, 8>}, {transform_indices = @transform_2, window_bounds = array<i64: 2000, 1>}, {pipeline_mode = #tpu.pipeline_mode<synchronous>, transform_indices = @transform_3, window_bounds = array<i64: 8, 128>}, {pipeline_mode = #tpu.pipeline_mode<synchronous>, transform_indices = @transform_4, window_bounds = array<i64: 1, 128>}, {pipeline_mode = #tpu.pipeline_mode<synchronous>, transform_indices = @transform_5, window_bounds = array<i64: 128, 128>}, {pipeline_mode = #tpu.pipeline_mode<synchronous>, transform_indices = @transform_6, window_bounds = array<i64: 1, 128>}, {pipeline_mode = #tpu.pipeline_mode<synchronous>, transform_indices = @transform_7, window_bounds = array<i64: 128, 128>}, {pipeline_mode = #tpu.pipeline_mode<synchronous>, transform_indices = @transform_8, window_bounds = array<i64: 1, 128>}, {pipeline_mode = #tpu.pipeline_mode<synchronous>, transform_indices = @transform_9, window_bounds = array<i64: 128, 1>}, {pipeline_mode = #tpu.pipeline_mode<synchronous>, transform_indices = @transform_10, window_bounds = array<i64: 1, 1>}, {pipeline_mode = #tpu.pipeline_mode<synchronous>, transform_indices = @transform_11, window_bounds = array<i64: 128, 1>}, {pipeline_mode = #tpu.pipeline_mode<synchronous>, transform_indices = @transform_12, window_bounds = array<i64: 1, 1>}, {pipeline_mode = #tpu.pipeline_mode<synchronous>, transform_indices = @transform_13, window_bounds = array<i64: 1, 8>}, {pipeline_mode = #tpu.pipeline_mode<synchronous>, transform_indices = @transform_14, window_bounds = array<i64: 1, 8>}, {pipeline_mode = #tpu.pipeline_mode<synchronous>, transform_indices = @transform_15, window_bounds = array<i64: 256, 1>}]} {
    %get3A = arith.constant 0 : index
    %get3A_0 = arith.constant 0 : index
    %get3A_1 = vector.load %arg2[%get3A, %get3A_0] : memref<2000x8xf32, #tpu.memory_space<vmem>>, vector<2000x8xf32>
    %get3A_2 = arith.constant 0 : index
    %get3A_3 = arith.constant 0 : index
    %get3A_4 = arith.constant 0 : index
    %get3A_5 = vector.load %arg3[%get3A_2, %get3A_3, %get3A_4] : memref<2x2000x8xf32, #tpu.memory_space<vmem>>, vector<1x2000x8xf32>
    %get3A_6 = vector.shape_cast %get3A_5 : vector<1x2000x8xf32> to vector<2000x8xf32>
    %add3A = arith.addf %get3A_1, %get3A_6 : vector<2000x8xf32>
    %get3A_7 = arith.constant 1 : index
    %get3A_8 = arith.constant 0 : index
    %get3A_9 = arith.constant 0 : index
    %get3A_10 = vector.load %arg3[%get3A_7, %get3A_8, %get3A_9] : memref<2x2000x8xf32, #tpu.memory_space<vmem>>, vector<1x2000x8xf32>
    %get3A_11 = vector.shape_cast %get3A_10 : vector<1x2000x8xf32> to vector<2000x8xf32>
    %add3A_12 = arith.addf %add3A, %get3A_11 : vector<2000x8xf32>
    %eq3A = arith.constant 0 : i32
    %eq3A_13 = arith.cmpi eq, %arg0, %eq3A : i32
    %eq3A_14 = arith.constant 0 : i32
    %eq3A_15 = arith.cmpi eq, %arg1, %eq3A_14 : i32
    %and3A = arith.andi %eq3A_13, %eq3A_15 : i1
    %convert_element_type3A = arith.extui %and3A : i1 to i32
    %cond3A = arith.constant 0 : i32
    %cond3A_16 = arith.cmpi ne, %convert_element_type3A, %cond3A : i32
    scf.if %cond3A_16 {
      %broadcast_in_dim3A = arith.constant 0.000000e+00 : f32
      %broadcast_in_dim3A_35 = vector.broadcast %broadcast_in_dim3A : f32 to vector<1x8xf32>
      %swap3A = arith.constant 0 : index
      %swap3A_36 = arith.constant 0 : index
      %swap3A_37 = vector.load %arg18[%swap3A, %swap3A_36] : memref<1x8xf32, #tpu.memory_space<vmem>>, vector<1x8xf32>
      tpu.vector_store %arg18[%swap3A, %swap3A_36], %broadcast_in_dim3A_35 {strides = array<i32>} : memref<1x8xf32, #tpu.memory_space<vmem>>, vector<1x8xf32>,
      %broadcast_in_dim3A_38 = arith.constant 0.000000e+00 : f32
      %broadcast_in_dim3A_39 = vector.broadcast %broadcast_in_dim3A_38 : f32 to vector<1x8xf32>
      %swap3A_40 = arith.constant 0 : index
      %swap3A_41 = arith.constant 0 : index
      %swap3A_42 = vector.load %arg19[%swap3A_40, %swap3A_41] : memref<1x8xf32, #tpu.memory_space<vmem>>, vector<1x8xf32>
      tpu.vector_store %arg19[%swap3A_40, %swap3A_41], %broadcast_in_dim3A_39 {strides = array<i32>} : memref<1x8xf32, #tpu.memory_space<vmem>>, vector<1x8xf32>,
      %broadcast_in_dim3A_43 = arith.constant 0xFF800000 : f32
      %broadcast_in_dim3A_44 = vector.broadcast %broadcast_in_dim3A_43 : f32 to vector<1x256xf32>
      %swap3A_45 = arith.constant 0 : index
      %swap3A_46 = arith.constant 0 : index
      %swap3A_47 = vector.load %arg20[%swap3A_45, %swap3A_46] : memref<1x256xf32, #tpu.memory_space<vmem>>, vector<1x256xf32>
      tpu.vector_store %arg20[%swap3A_45, %swap3A_46], %broadcast_in_dim3A_44 {strides = array<i32>} : memref<1x256xf32, #tpu.memory_space<vmem>>, vector<1x256xf32>,
      %broadcast_in_dim3A_48 = arith.constant 0.000000e+00 : f32
      %broadcast_in_dim3A_49 = vector.broadcast %broadcast_in_dim3A_48 : f32 to vector<128x256xf32>
      %swap3A_50 = arith.constant 0 : index
      %swap3A_51 = arith.constant 0 : index
      %swap3A_52 = vector.load %arg21[%swap3A_50, %swap3A_51] : memref<128x256xf32, #tpu.memory_space<vmem>>, vector<128x256xf32>
      tpu.vector_store %arg21[%swap3A_50, %swap3A_51], %broadcast_in_dim3A_49 {strides = array<i32>} : memref<128x256xf32, #tpu.memory_space<vmem>>, vector<128x256xf32>,
      %broadcast_in_dim3A_53 = arith.constant 0.000000e+00 : f32
      %broadcast_in_dim3A_54 = vector.broadcast %broadcast_in_dim3A_53 : f32 to vector<1x256xf32>
      %swap3A_55 = arith.constant 0 : index
      %swap3A_56 = arith.constant 0 : index
      %swap3A_57 = vector.load %arg22[%swap3A_55, %swap3A_56] : memref<1x256xf32, #tpu.memory_space<vmem>>, vector<1x256xf32>
      tpu.vector_store %arg22[%swap3A_55, %swap3A_56], %broadcast_in_dim3A_54 {strides = array<i32>} : memref<1x256xf32, #tpu.memory_space<vmem>>, vector<1x256xf32>,
    } else {
    }
    %eq3A_17 = arith.constant 0 : i32
    %eq3A_18 = arith.cmpi eq, %arg0, %eq3A_17 : i32
    %convert_element_type3A_19 = arith.extui %eq3A_18 : i1 to i32
    %cond3A_20 = arith.constant 0 : i32
    %cond3A_21 = arith.cmpi ne, %convert_element_type3A_19, %cond3A_20 : i32
    scf.if %cond3A_21 {
      %get3A_35 = arith.constant 0 : index
      %get3A_36 = arith.constant 0 : index
      %get3A_37 = vector.load %arg18[%get3A_35, %get3A_36] : memref<1x8xf32, #tpu.memory_space<vmem>>, vector<1x8xf32>
      %reduce_sum3A = arith.constant dense<0.000000e+00> : vector<8xf32>
      %reduce_sum3A_38 = vector.multi_reduction <add>, %add3A_12, %reduce_sum3A [0] : vector<2000x8xf32> to vector<8xf32>
      %broadcast_in_dim3A = vector.shape_cast %reduce_sum3A_38 : vector<8xf32> to vector<1x8xf32>
      %add3A_39 = arith.addf %get3A_37, %broadcast_in_dim3A : vector<1x8xf32>
      %swap3A = arith.constant 0 : index
      %swap3A_40 = arith.constant 0 : index
      %swap3A_41 = vector.load %arg18[%swap3A, %swap3A_40] : memref<1x8xf32, #tpu.memory_space<vmem>>, vector<1x8xf32>
      tpu.vector_store %arg18[%swap3A, %swap3A_40], %add3A_39 {strides = array<i32>} : memref<1x8xf32, #tpu.memory_space<vmem>>, vector<1x8xf32>,
      %get3A_42 = arith.constant 0 : index
      %get3A_43 = arith.constant 0 : index
      %get3A_44 = vector.load %arg19[%get3A_42, %get3A_43] : memref<1x8xf32, #tpu.memory_space<vmem>>, vector<1x8xf32>
      %mul3A = arith.mulf %add3A_12, %add3A_12 : vector<2000x8xf32>
      %reduce_sum3A_45 = arith.constant dense<0.000000e+00> : vector<8xf32>
      %reduce_sum3A_46 = vector.multi_reduction <add>, %mul3A, %reduce_sum3A_45 [0] : vector<2000x8xf32> to vector<8xf32>
      %broadcast_in_dim3A_47 = vector.shape_cast %reduce_sum3A_46 : vector<8xf32> to vector<1x8xf32>
      %add3A_48 = arith.addf %get3A_44, %broadcast_in_dim3A_47 : vector<1x8xf32>
      %swap3A_49 = arith.constant 0 : index
      %swap3A_50 = arith.constant 0 : index
      %swap3A_51 = vector.load %arg19[%swap3A_49, %swap3A_50] : memref<1x8xf32, #tpu.memory_space<vmem>>, vector<1x8xf32>
      tpu.vector_store %arg19[%swap3A_49, %swap3A_50], %add3A_48 {strides = array<i32>} : memref<1x8xf32, #tpu.memory_space<vmem>>, vector<1x8xf32>,
    } else {
    }
    %eq3A_22 = arith.constant 1 : i32
    %eq3A_23 = arith.cmpi eq, %arg0, %eq3A_22 : i32
    %convert_element_type3A_24 = arith.extui %eq3A_23 : i1 to i32
    %cond3A_25 = arith.constant 0 : i32
    %cond3A_26 = arith.cmpi ne, %convert_element_type3A_24, %cond3A_25 : i32
    scf.if %cond3A_26 {
      %get3A_35 = arith.constant 0 : index
      %get3A_36 = arith.constant 0 : index
      %get3A_37 = vector.load %arg18[%get3A_35, %get3A_36] : memref<1x8xf32, #tpu.memory_space<vmem>>, vector<1x8xf32>
      %mul3A = arith.constant 9.99999974E-6 : f32
      %mul3A_38 = vector.broadcast %mul3A : f32 to vector<1x8xf32>
      %mul3A_39 = arith.mulf %get3A_37, %mul3A_38 : vector<1x8xf32>
      %get3A_40 = arith.constant 0 : index
      %get3A_41 = arith.constant 0 : index
      %get3A_42 = vector.load %arg19[%get3A_40, %get3A_41] : memref<1x8xf32, #tpu.memory_space<vmem>>, vector<1x8xf32>
      %mul3A_43 = arith.constant 9.99999974E-6 : f32
      %mul3A_44 = vector.broadcast %mul3A_43 : f32 to vector<1x8xf32>
      %mul3A_45 = arith.mulf %get3A_42, %mul3A_44 : vector<1x8xf32>
      %mul3A_46 = arith.mulf %mul3A_39, %mul3A_39 : vector<1x8xf32>
      %sub3A = arith.subf %mul3A_45, %mul3A_46 : vector<1x8xf32>
      %sub3A_47 = vector.broadcast %mul3A_39 : vector<1x8xf32> to vector<2000x8xf32>
      %sub3A_48 = arith.subf %add3A_12, %sub3A_47 : vector<2000x8xf32>
      %get3A_49 = arith.constant 0 : index
      %get3A_50 = arith.constant 0 : index
      %get3A_51 = vector.load %arg15[%get3A_49, %get3A_50] : memref<1x8xf32, #tpu.memory_space<vmem>>, vector<1x8xf32>
      %add3A_52 = arith.constant 9.99999974E-6 : f32
      %add3A_53 = vector.broadcast %add3A_52 : f32 to vector<1x8xf32>
      %add3A_54 = arith.addf %sub3A, %add3A_53 : vector<1x8xf32>
      %rsqrt3A = math.rsqrt %add3A_54 : vector<1x8xf32>
      %mul3A_55 = arith.mulf %get3A_51, %rsqrt3A : vector<1x8xf32>
      %mul3A_56 = vector.broadcast %mul3A_55 : vector<1x8xf32> to vector<2000x8xf32>
      %mul3A_57 = arith.mulf %sub3A_48, %mul3A_56 : vector<2000x8xf32>
      %get3A_58 = arith.constant 0 : index
      %get3A_59 = arith.constant 0 : index
      %get3A_60 = vector.load %arg16[%get3A_58, %get3A_59] : memref<1x8xf32, #tpu.memory_space<vmem>>, vector<1x8xf32>
      %add3A_61 = vector.broadcast %get3A_60 : vector<1x8xf32> to vector<2000x8xf32>
      %add3A_62 = arith.addf %mul3A_57, %add3A_61 : vector<2000x8xf32>
      %get3A_63 = arith.constant 0 : index
      %get3A_64 = arith.constant 0 : index
      %get3A_65 = vector.load %arg5[%get3A_63, %get3A_64] : memref<8x128xf32, #tpu.memory_space<vmem>>, vector<8x128xf32>
      %dot_general3A = arith.constant dense<0.000000e+00> : vector<2000x128xf32>
      %dot_general3A_66 = tpu.matmul %add3A_62, %get3A_65, %dot_general3A {dimension_numbers = #tpu.dot_dimension_numbers<[1], [0], [0], [1], [0, 0, 1, 1], [], []>, transpose_lhs_hint = false} : vector<2000x8xf32>, vector<8x128xf32>, vector<2000x128xf32> -> vector<2000x128xf32>
      %get3A_67 = arith.constant 0 : index
      %get3A_68 = arith.constant 0 : index
      %get3A_69 = vector.load %arg6[%get3A_67, %get3A_68] : memref<1x128xf32, #tpu.memory_space<vmem>>, vector<1x128xf32>
      %add3A_70 = vector.broadcast %get3A_69 : vector<1x128xf32> to vector<2000x128xf32>
      %add3A_71 = arith.addf %dot_general3A_66, %add3A_70 : vector<2000x128xf32>
      %max3A = arith.constant 0.000000e+00 : f32
      %max3A_72 = vector.broadcast %max3A : f32 to vector<2000x128xf32>
      %max3A_73 = arith.maximumf %add3A_71, %max3A_72 : vector<2000x128xf32>
      %get3A_74 = arith.constant 0 : index
      %get3A_75 = arith.constant 0 : index
      %get3A_76 = vector.load %arg7[%get3A_74, %get3A_75] : memref<128x128xf32, #tpu.memory_space<vmem>>, vector<128x128xf32>
      %dot_general3A_77 = arith.constant dense<0.000000e+00> : vector<2000x128xf32>
      %dot_general3A_78 = tpu.matmul %max3A_73, %get3A_76, %dot_general3A_77 {dimension_numbers = #tpu.dot_dimension_numbers<[1], [0], [0], [1], [0, 0, 1, 1], [], []>, transpose_lhs_hint = false} : vector<2000x128xf32>, vector<128x128xf32>, vector<2000x128xf32> -> vector<2000x128xf32>
      %get3A_79 = arith.constant 0 : index
      %get3A_80 = arith.constant 0 : index
      %get3A_81 = vector.load %arg8[%get3A_79, %get3A_80] : memref<1x128xf32, #tpu.memory_space<vmem>>, vector<1x128xf32>
      %add3A_82 = vector.broadcast %get3A_81 : vector<1x128xf32> to vector<2000x128xf32>
      %add3A_83 = arith.addf %dot_general3A_78, %add3A_82 : vector<2000x128xf32>
      %max3A_84 = arith.constant 0.000000e+00 : f32
      %max3A_85 = vector.broadcast %max3A_84 : f32 to vector<2000x128xf32>
      %max3A_86 = arith.maximumf %add3A_83, %max3A_85 : vector<2000x128xf32>
      %get3A_87 = arith.constant 0 : index
      %get3A_88 = arith.constant 0 : index
      %get3A_89 = vector.load %arg9[%get3A_87, %get3A_88] : memref<128x128xf32, #tpu.memory_space<vmem>>, vector<128x128xf32>
      %dot_general3A_90 = arith.constant dense<0.000000e+00> : vector<2000x128xf32>
      %dot_general3A_91 = tpu.matmul %max3A_86, %get3A_89, %dot_general3A_90 {dimension_numbers = #tpu.dot_dimension_numbers<[1], [0], [0], [1], [0, 0, 1, 1], [], []>, transpose_lhs_hint = false} : vector<2000x128xf32>, vector<128x128xf32>, vector<2000x128xf32> -> vector<2000x128xf32>
      %get3A_92 = arith.constant 0 : index
      %get3A_93 = arith.constant 0 : index
      %get3A_94 = vector.load %arg10[%get3A_92, %get3A_93] : memref<1x128xf32, #tpu.memory_space<vmem>>, vector<1x128xf32>
      %add3A_95 = vector.broadcast %get3A_94 : vector<1x128xf32> to vector<2000x128xf32>
      %add3A_96 = arith.addf %dot_general3A_91, %add3A_95 : vector<2000x128xf32>
      %max3A_97 = arith.constant 0.000000e+00 : f32
      %max3A_98 = vector.broadcast %max3A_97 : f32 to vector<2000x128xf32>
      %max3A_99 = arith.maximumf %add3A_96, %max3A_98 : vector<2000x128xf32>
      %get3A_100 = arith.constant 0 : index
      %get3A_101 = arith.constant 0 : index
      %get3A_102 = vector.load %arg11[%get3A_100, %get3A_101] : memref<128x1xf32, #tpu.memory_space<vmem>>, vector<128x1xf32>
      %dot_general3A_103 = arith.constant dense<0.000000e+00> : vector<2000x1xf32>
      %dot_general3A_104 = tpu.matmul %max3A_99, %get3A_102, %dot_general3A_103 {dimension_numbers = #tpu.dot_dimension_numbers<[1], [0], [0], [1], [0, 0, 1, 1], [], []>, transpose_lhs_hint = false} : vector<2000x128xf32>, vector<128x1xf32>, vector<2000x1xf32> -> vector<2000x1xf32>
      %get3A_105 = arith.constant 0 : index
      %get3A_106 = arith.constant 0 : index
      %get3A_107 = vector.load %arg12[%get3A_105, %get3A_106] : memref<1x1xf32, #tpu.memory_space<vmem>>, vector<1x1xf32>
      %add3A_108 = vector.broadcast %get3A_107 : vector<1x1xf32> to vector<2000x1xf32>
      %add3A_109 = arith.addf %dot_general3A_104, %add3A_108 : vector<2000x1xf32>
      %get3A_110 = arith.constant 0 : index
      %get3A_111 = arith.constant 0 : index
      %get3A_112 = vector.load %arg4[%get3A_110, %get3A_111] : memref<2000x1xi32, #tpu.memory_space<vmem>>, vector<2000x1xi32>
      %iota3A = tpu.iota {dimensions = array<i32: 1>} : vector<2000x256xi32>
      %eq3A_113 = vector.broadcast %get3A_112 : vector<2000x1xi32> to vector<2000x256xi32>
      %eq3A_114 = arith.cmpi eq, %eq3A_113, %iota3A : vector<2000x256xi32>
      %convert_element_type3A_115 = arith.extui %eq3A_114 : vector<2000x256xi1> to vector<2000x256xi32>
      %convert_element_type3A_116 = arith.sitofp %convert_element_type3A_115 : vector<2000x256xi32> to vector<2000x256xf32>
      %jit3A = arith.constant 0xFF800000 : f32
      %broadcast_in_dim3A = vector.shape_cast %add3A_109 : vector<2000x1xf32> to vector<2000x1xf32>
      %broadcast_in_dim3A_117 = vector.broadcast %broadcast_in_dim3A : vector<2000x1xf32> to vector<2000x256xf32>
      %broadcast_in_dim3A_118 = vector.broadcast %jit3A : f32 to vector<2000x256xf32>
      %select_n3A = arith.select %eq3A_114, %broadcast_in_dim3A_117, %broadcast_in_dim3A_118 : vector<2000x256xi1>, vector<2000x256xf32>
      %reduce_max3A = arith.constant dense<0xFF800000> : vector<256xf32>
      %reduce_max3A_119 = vector.multi_reduction <maximumf>, %select_n3A, %reduce_max3A [0] : vector<2000x256xf32> to vector<256xf32>
      %broadcast_in_dim3A_120 = vector.shape_cast %reduce_max3A_119 : vector<256xf32> to vector<1x256xf32>
      %get3A_121 = arith.constant 0 : index
      %get3A_122 = arith.constant 0 : index
      %get3A_123 = vector.load %arg20[%get3A_121, %get3A_122] : memref<1x256xf32, #tpu.memory_space<vmem>>, vector<1x256xf32>
      %max3A_124 = arith.maximumf %get3A_123, %broadcast_in_dim3A_120 : vector<1x256xf32>
      %eq3A_125 = arith.constant 0xFF800000 : f32
      %eq3A_126 = vector.broadcast %eq3A_125 : f32 to vector<1x256xf32>
      %eq3A_127 = arith.cmpf oeq, %max3A_124, %eq3A_126 : vector<1x256xf32>
      %get3A_128 = arith.constant 0 : index
      %get3A_129 = arith.constant 0 : index
      %get3A_130 = vector.load %arg20[%get3A_128, %get3A_129] : memref<1x256xf32, #tpu.memory_space<vmem>>, vector<1x256xf32>
      %sub3A_131 = arith.subf %get3A_130, %max3A_124 : vector<1x256xf32>
      %exp3A = math.exp %sub3A_131 : vector<1x256xf32>
      %jit3A_132 = arith.constant 1.000000e+00 : f32
      %broadcast_in_dim3A_133 = vector.broadcast %jit3A_132 : f32 to vector<1x256xf32>
      %select_n3A_134 = arith.select %eq3A_127, %broadcast_in_dim3A_133, %exp3A : vector<1x256xi1>, vector<1x256xf32>
      %jit3A_135 = arith.constant 0xFF800000 : f32
      %broadcast_in_dim3A_136 = vector.shape_cast %max3A_124 : vector<1x256xf32> to vector<1x256xf32>
      %broadcast_in_dim3A_137 = vector.broadcast %broadcast_in_dim3A_136 : vector<1x256xf32> to vector<2000x256xf32>
      %broadcast_in_dim3A_138 = vector.broadcast %jit3A_135 : f32 to vector<2000x256xf32>
      %select_n3A_139 = arith.select %eq3A_114, %broadcast_in_dim3A_137, %broadcast_in_dim3A_138 : vector<2000x256xi1>, vector<2000x256xf32>
      %reduce_max3A_140 = arith.constant dense<0xFF800000> : vector<2000xf32>
      %reduce_max3A_141 = vector.multi_reduction <maximumf>, %select_n3A_139, %reduce_max3A_140 [1] : vector<2000x256xf32> to vector<2000xf32>
      %broadcast_in_dim3A_142 = vector.shape_cast %reduce_max3A_141 : vector<2000xf32> to vector<2000x1xf32>
      %sub3A_143 = arith.subf %add3A_109, %broadcast_in_dim3A_142 : vector<2000x1xf32>
      %exp3A_144 = math.exp %sub3A_143 : vector<2000x1xf32>
      %mul3A_145 = vector.broadcast %exp3A_144 : vector<2000x1xf32> to vector<2000x128xf32>
      %mul3A_146 = arith.mulf %max3A_99, %mul3A_145 : vector<2000x128xf32>
      %get3A_147 = arith.constant 0 : index
      %get3A_148 = arith.constant 0 : index
      %get3A_149 = vector.load %arg21[%get3A_147, %get3A_148] : memref<128x256xf32, #tpu.memory_space<vmem>>, vector<128x256xf32>
      %mul3A_150 = vector.broadcast %select_n3A_134 : vector<1x256xf32> to vector<128x256xf32>
      %mul3A_151 = arith.mulf %get3A_149, %mul3A_150 : vector<128x256xf32>
      %dot_general3A_152 = arith.constant dense<0.000000e+00> : vector<128x256xf32>
      %dot_general3A_153 = tpu.matmul %mul3A_146, %convert_element_type3A_116, %dot_general3A_152 {dimension_numbers = #tpu.dot_dimension_numbers<[0], [0], [1], [1], [0, 1, 1, 1], [], []>, transpose_lhs_hint = false} : vector<2000x128xf32>, vector<2000x256xf32>, vector<128x256xf32> -> vector<128x256xf32>
      %add3A_154 = arith.addf %mul3A_151, %dot_general3A_153 : vector<128x256xf32>
      %swap3A = arith.constant 0 : index
      %swap3A_155 = arith.constant 0 : index
      %swap3A_156 = vector.load %arg21[%swap3A, %swap3A_155] : memref<128x256xf32, #tpu.memory_space<vmem>>, vector<128x256xf32>
      tpu.vector_store %arg21[%swap3A, %swap3A_155], %add3A_154 {strides = array<i32>} : memref<128x256xf32, #tpu.memory_space<vmem>>, vector<128x256xf32>,
      %get3A_157 = arith.constant 0 : index
      %get3A_158 = arith.constant 0 : index
      %get3A_159 = vector.load %arg22[%get3A_157, %get3A_158] : memref<1x256xf32, #tpu.memory_space<vmem>>, vector<1x256xf32>
      %mul3A_160 = arith.mulf %get3A_159, %select_n3A_134 : vector<1x256xf32>
      %dot_general3A_161 = arith.constant dense<0.000000e+00> : vector<1x256xf32>
      %dot_general3A_162 = tpu.matmul %exp3A_144, %convert_element_type3A_116, %dot_general3A_161 {dimension_numbers = #tpu.dot_dimension_numbers<[0], [0], [1], [1], [0, 1, 1, 1], [], []>, transpose_lhs_hint = false} : vector<2000x1xf32>, vector<2000x256xf32>, vector<1x256xf32> -> vector<1x256xf32>
      %add3A_163 = arith.addf %mul3A_160, %dot_general3A_162 : vector<1x256xf32>
      %swap3A_164 = arith.constant 0 : index
      %swap3A_165 = arith.constant 0 : index
      %swap3A_166 = vector.load %arg22[%swap3A_164, %swap3A_165] : memref<1x256xf32, #tpu.memory_space<vmem>>, vector<1x256xf32>
      tpu.vector_store %arg22[%swap3A_164, %swap3A_165], %add3A_163 {strides = array<i32>} : memref<1x256xf32, #tpu.memory_space<vmem>>, vector<1x256xf32>,
      %swap3A_167 = arith.constant 0 : index
      %swap3A_168 = arith.constant 0 : index
      %swap3A_169 = vector.load %arg20[%swap3A_167, %swap3A_168] : memref<1x256xf32, #tpu.memory_space<vmem>>, vector<1x256xf32>
      tpu.vector_store %arg20[%swap3A_167, %swap3A_168], %max3A_124 {strides = array<i32>} : memref<1x256xf32, #tpu.memory_space<vmem>>, vector<1x256xf32>,
    } else {
    }
    %eq3A_27 = arith.constant 1 : i32
    %eq3A_28 = arith.cmpi eq, %arg0, %eq3A_27 : i32
    %eq3A_29 = arith.constant 49 : i32
    %eq3A_30 = arith.cmpi eq, %arg1, %eq3A_29 : i32
    %and3A_31 = arith.andi %eq3A_28, %eq3A_30 : i1
    %convert_element_type3A_32 = arith.extui %and3A_31 : i1 to i32
    %cond3A_33 = arith.constant 0 : i32
    %cond3A_34 = arith.cmpi ne, %convert_element_type3A_32, %cond3A_33 : i32
    scf.if %cond3A_34 {
      %get3A_35 = arith.constant 0 : index
      %get3A_36 = arith.constant 0 : index
      %get3A_37 = vector.load %arg21[%get3A_35, %get3A_36] : memref<128x256xf32, #tpu.memory_space<vmem>>, vector<128x256xf32>
      %get3A_38 = arith.constant 0 : index
      %get3A_39 = arith.constant 0 : index
      %get3A_40 = vector.load %arg22[%get3A_38, %get3A_39] : memref<1x256xf32, #tpu.memory_space<vmem>>, vector<1x256xf32>
      %max3A = arith.constant 1.000000e-16 : f32
      %max3A_41 = vector.broadcast %max3A : f32 to vector<1x256xf32>
      %max3A_42 = arith.maximumf %get3A_40, %max3A_41 : vector<1x256xf32>
      %div3A = vector.broadcast %max3A_42 : vector<1x256xf32> to vector<128x256xf32>
      %div3A_43 = arith.divf %get3A_37, %div3A : vector<128x256xf32>
      %get3A_44 = arith.constant 0 : index
      %get3A_45 = arith.constant 0 : index
      %get3A_46 = vector.load %arg13[%get3A_44, %get3A_45] : memref<128x1xf32, #tpu.memory_space<vmem>>, vector<128x1xf32>
      %dot_general3A = arith.constant dense<0.000000e+00> : vector<256x1xf32>
      %dot_general3A_47 = tpu.matmul %div3A_43, %get3A_46, %dot_general3A {dimension_numbers = #tpu.dot_dimension_numbers<[0], [0], [1], [1], [0, 1, 1, 1], [], []>, transpose_lhs_hint = false} : vector<128x256xf32>, vector<128x1xf32>, vector<256x1xf32> -> vector<256x1xf32>
      %get3A_48 = arith.constant 0 : index
      %get3A_49 = arith.constant 0 : index
      %get3A_50 = vector.load %arg14[%get3A_48, %get3A_49] : memref<1x1xf32, #tpu.memory_space<vmem>>, vector<1x1xf32>
      %add3A_51 = vector.broadcast %get3A_50 : vector<1x1xf32> to vector<256x1xf32>
      %add3A_52 = arith.addf %dot_general3A_47, %add3A_51 : vector<256x1xf32>
      %swap3A = arith.constant 0 : index
      %swap3A_53 = arith.constant 0 : index
      %swap3A_54 = vector.load %arg17[%swap3A, %swap3A_53] : memref<256x1xf32, #tpu.memory_space<vmem>>, vector<256x1xf32>
      tpu.vector_store %arg17[%swap3A, %swap3A_53], %add3A_52 {strides = array<i32>} : memref<256x1xf32, #tpu.memory_space<vmem>>, vector<256x1xf32>,
    } else {
    }
    return
  }
  func.func @transform_0(%arg0: i32, %arg1: i32) -> (i32, i32) {
    %c0_i32 = arith.constant 0 : i32
    %c0_i32_0 = arith.constant 0 : i32
    return %arg1, %c0_i32 : i32, i32
  }
  func.func @transform_1(%arg0: i32, %arg1: i32) -> (i32, i32, i32) {
    %c0_i32 = arith.constant 0 : i32
    %c0_i32_0 = arith.constant 0 : i32
    %c0_i32_1 = arith.constant 0 : i32
    return %c0_i32, %arg1, %c0_i32_0 : i32, i32, i32
  }
  func.func @transform_2(%arg0: i32, %arg1: i32) -> (i32, i32) {
    %c0_i32 = arith.constant 0 : i32
    %c0_i32_0 = arith.constant 0 : i32
    return %arg1, %c0_i32 : i32, i32
  }
  func.func @transform_3(%arg0: i32, %arg1: i32) -> (i32, i32) {
    %c0_i32 = arith.constant 0 : i32
    %c0_i32_0 = arith.constant 0 : i32
    %c0_i32_1 = arith.constant 0 : i32
    return %c0_i32, %c0_i32_0 : i32, i32
  }
  func.func @transform_4(%arg0: i32, %arg1: i32) -> (i32, i32) {
    %c0_i32 = arith.constant 0 : i32
    %c0_i32_0 = arith.constant 0 : i32
    %c0_i32_1 = arith.constant 0 : i32
    return %c0_i32, %c0_i32_0 : i32, i32
  }
  func.func @transform_5(%arg0: i32, %arg1: i32) -> (i32, i32) {
    %c0_i32 = arith.constant 0 : i32
    %c0_i32_0 = arith.constant 0 : i32
    %c0_i32_1 = arith.constant 0 : i32
    return %c0_i32, %c0_i32_0 : i32, i32
  }
  func.func @transform_6(%arg0: i32, %arg1: i32) -> (i32, i32) {
    %c0_i32 = arith.constant 0 : i32
    %c0_i32_0 = arith.constant 0 : i32
    %c0_i32_1 = arith.constant 0 : i32
    return %c0_i32, %c0_i32_0 : i32, i32
  }
  func.func @transform_7(%arg0: i32, %arg1: i32) -> (i32, i32) {
    %c0_i32 = arith.constant 0 : i32
    %c0_i32_0 = arith.constant 0 : i32
    %c0_i32_1 = arith.constant 0 : i32
    return %c0_i32, %c0_i32_0 : i32, i32
  }
  func.func @transform_8(%arg0: i32, %arg1: i32) -> (i32, i32) {
    %c0_i32 = arith.constant 0 : i32
    %c0_i32_0 = arith.constant 0 : i32
    %c0_i32_1 = arith.constant 0 : i32
    return %c0_i32, %c0_i32_0 : i32, i32
  }
  func.func @transform_9(%arg0: i32, %arg1: i32) -> (i32, i32) {
    %c0_i32 = arith.constant 0 : i32
    %c0_i32_0 = arith.constant 0 : i32
    %c0_i32_1 = arith.constant 0 : i32
    return %c0_i32, %c0_i32_0 : i32, i32
  }
  func.func @transform_10(%arg0: i32, %arg1: i32) -> (i32, i32) {
    %c0_i32 = arith.constant 0 : i32
    %c0_i32_0 = arith.constant 0 : i32
    %c0_i32_1 = arith.constant 0 : i32
    return %c0_i32, %c0_i32_0 : i32, i32
  }
  func.func @transform_11(%arg0: i32, %arg1: i32) -> (i32, i32) {
    %c0_i32 = arith.constant 0 : i32
    %c0_i32_0 = arith.constant 0 : i32
    %c0_i32_1 = arith.constant 0 : i32
    return %c0_i32, %c0_i32_0 : i32, i32
  }
  func.func @transform_12(%arg0: i32, %arg1: i32) -> (i32, i32) {
    %c0_i32 = arith.constant 0 : i32
    %c0_i32_0 = arith.constant 0 : i32
    %c0_i32_1 = arith.constant 0 : i32
    return %c0_i32, %c0_i32_0 : i32, i32
  }
  func.func @transform_13(%arg0: i32, %arg1: i32) -> (i32, i32) {
    %c0_i32 = arith.constant 0 : i32
    %c0_i32_0 = arith.constant 0 : i32
    %c0_i32_1 = arith.constant 0 : i32
    return %c0_i32, %c0_i32_0 : i32, i32
  }
  func.func @transform_14(%arg0: i32, %arg1: i32) -> (i32, i32) {
    %c0_i32 = arith.constant 0 : i32
    %c0_i32_0 = arith.constant 0 : i32
    %c0_i32_1 = arith.constant 0 : i32
    return %c0_i32, %c0_i32_0 : i32, i32
  }
  func.func @transform_15(%arg0: i32, %arg1: i32) -> (i32, i32) {
    %c0_i32 = arith.constant 0 : i32
    %c0_i32_0 = arith.constant 0 : i32
    %c0_i32_1 = arith.constant 0 : i32
    return %c0_i32, %c0_i32_0 : i32, i32
  }
}

</mosaic_0001>

<sc_bundles>
// kernel: kernel.4.cloned.1.call-start
scs
__scs_entry_jumppad:
0x0: {  	(pc) =	sbr.rel $0x88, $3  }
0x1: {  	(tag) =	ssettag $0x0;
	lr =	simm.s32 $0x1  }
0x2: {  	[smem:$0x3F92] =	sst lr;
	_ =	strace $0xD0000000  }
0x3: {  	_ = 	snop  }
0x4: {  	_ = 	snop  }
0x5: {  	_ = 	snop  }
0x6: {  	_ = 	snop  }
0x7: {  	_ = 	snop  }
__scs_overlays_trampoline_lowered:
0x8: {  	[smem:$0x3FA1] =	sst s0  }
0x9: {  	[smem:$0x3FA2] =	sst s1  }
0xa: {  	[smem:$0x3FA3] =	sst s2  }
0xb: {  	[smem:$0x3FA4] =	sst s3  }
0xc: {  	[smem:$0x3FA5] =	sst s4  }
0xd: {  	[smem:$0x3FA6] =	sst s5  }
0xe: {  	[smem:$0x3FA7] =	sst s6  }
0xf: {  	[smem:$0x3FA8] =	sst s7  }
0x10: {  	[smem:$0x3FA9] =	sst s8  }
0x11: {  	[smem:$0x3FAA] =	sst s9;
	s0 =	simm.s32 @!p0 $0x0  }
0x12: {  	s1 =	sld [smem:$0x3F90];
	s0 =	simm.s32 @p0 $0x1  }
0x13: {  	[smem:$0x3FAB] =	sst s0;
	s0 =	simm.s32 @!p1 $0x0  }
0x14: {  	s2 =	sld [smem:$0x3F8F];
	s0 =	simm.s32 @p1 $0x1  }
0x15: {  	[smem:$0x3FAC] =	sst s0;
	s0 =	simm.s32 @!p2 $0x0  }
0x16: {  	s3 =	sld [smem:$0x3FDB];
	s0 =	simm.s32 @p2 $0x1  }
0x17: {  	s4 =	simm.s32 $0x1BF5;
	[smem:$0x3FAE] =	sst s0  }
0x18: {  	s0 =	sld [smem:$0x3F91];
	_ =	swait.ge [sflag:s4], $0x0  }
0x19: {  	s7 =	sld [smem:$0x3F92]  }
0x1a: {  	s8 =	sadd.s32 $0xFFFFE003, lr  }
0x1b: {  	s9 =	sadd.s32 $0xFFFFFEF7, lr;
	s5 =	simm.s32 $0xFFFFFFFF;
	p2 =	slt.u32 s8, $0xFFFFF086  }
0x1c: {  	p1 =	slt.u32 s9, $0xF7A;
	s5 =	simm.s32 @!p2 $0x0  }
0x1d: {  	s5 =	simm.s32 @p1 $0x1;
	p0 =	seq.s32 s7, s2  }
0x1e: {  	s7 =	smul.u32 @!p0 $0xF7A, s2;
	p2 =	seq.s32 @!p0 s5, $0x0  }
0x1f: {  	s9 =	smul.u32 $0xF7A, s1;
	s8 =	simm.s32 @!p0 $0x1BF5;
	p2 =	por !p2, p0  }
0x20: {  	[sflag:s8] =	ssyncset.s32 @!p0 $0xFFFFF086;
	s6 =	sadd.s32 @!p0 s3, s7;
	s7 =	simm.s32 @!p0 $0x108  }
0x21: {  	s3 =	sadd.s32 s3, s9;
	s6 =	sadd.s32 @!p0 $0x88, s6;
	s7 =	simm.s32 @p2 $0x1082  }
0x22: {  	[simem:s7], [sflag:s8] =	dma.local @!p0 [hbm:s6], $0xF7A  }
0x23: {  	s9 =	sor.u32 $0xD0000000, s2;
	s6 =	simm.s32 $0x108;
	_ =	swait.ge @!p0 [sflag:s8], $0x0  }
0x24: {  	s3 =	sadd.s32 $0x88, s3;
	s6 =	simm.s32 @!p1 $0x1082;
	[sflag:s4] =	ssyncset.s32 $0xFFFFF086  }
0x25: {  	[simem:s6], [sflag:s4] =	dma.local [hbm:s3], $0xF7A  }
0x26: {  	[smem:$0x3F92] =	sst s1;
	(tag) =	ssettag s2;
	_ =	strace s9  }
0x27: {  	s1 =	sld [smem:$0x3FA2]  }
0x28: {  	s2 =	sld [smem:$0x3FA3]  }
0x29: {  	s4 =	sld [smem:$0x3FA5]  }
0x2a: {  	p0 =	seq.s32 s5, $0x0;
	s5 =	sld [smem:$0x3FA6]  }
0x2b: {  	s6 =	sld [smem:$0x3FA7]  }
0x2c: {  	s7 =	sld [smem:$0x3FA8]  }
0x2d: {  	s3 =	simm.s32 $0x108;
	s8 =	sld [smem:$0x3FA9]  }
0x2e: {  	s3 =	simm.s32 @!p0 $0x1082;
	s9 =	sld [smem:$0x3FAA]  }
0x2f: {  	lr =	sadd.s32 s0, s3;
	s0 =	sld [smem:$0x3FA1]  }
0x30: {  	s3 =	sld [smem:$0x3FA4]  }
0x31: {  	[smem:$0x3FAD] =	sst s10  }
0x32: {  	s10 =	sld [smem:$0x3FAB];
	_ =	sdelay $0x3  }
0x33: {  	p0 =	seq.s32 s10, $0x1;
	s10 =	sld [smem:$0x3FAD];
	_ =	sdelay $0x3  }
0x34: {  	[smem:$0x3FAD] =	sst s10  }
0x35: {  	s10 =	sld [smem:$0x3FAC];
	_ =	sdelay $0x3  }
0x36: {  	p1 =	seq.s32 s10, $0x1;
	s10 =	sld [smem:$0x3FAD];
	_ =	sdelay $0x3  }
0x37: {  	[smem:$0x3FAD] =	sst s10  }
0x38: {  	s10 =	sld [smem:$0x3FAE]  }
0x39: {  	_ = 	snop;
	(pc) =	sbr.ind lr, $3  }
0x3a: {  	_ = 	snop  }
0x3b: {  	_ = 	snop  }
0x3c: {  	p2 =	seq.s32 s10, $0x1;
	s10 =	sld [smem:$0x3FAD]  }
0x3d: {  	_ =	shalt  }
0x3e: {  	_ =	shalt  }
0x3f: {  	_ =	shalt  }
0x40: {  	_ =	shalt  }
0x41: {  	_ =	shalt  }
0x42: {  	_ =	shalt  }
0x43: {  	_ =	shalt  }
0x44: {  	_ =	shalt  }
0x45: {  	_ =	shalt  }
0x46: {  	_ =	shalt  }
0x47: {  	_ =	shalt  }
0x48: {  	_ =	shalt  }
0x49: {  	_ =	shalt  }
0x4a: {  	_ =	shalt  }
0x4b: {  	_ =	shalt  }
0x4c: {  	_ =	shalt  }
0x4d: {  	_ =	shalt  }
0x4e: {  	_ =	shalt  }
0x4f: {  	_ =	shalt  }
0x50: {  	_ =	shalt  }
0x51: {  	_ =	shalt  }
0x52: {  	_ =	shalt  }
0x53: {  	_ =	shalt  }
0x54: {  	_ =	shalt  }
0x55: {  	_ =	shalt  }
0x56: {  	_ =	shalt  }
0x57: {  	_ =	shalt  }
0x58: {  	_ =	shalt  }
0x59: {  	_ =	shalt  }
0x5a: {  	_ =	shalt  }
0x5b: {  	_ =	shalt  }
0x5c: {  	_ =	shalt  }
0x5d: {  	_ =	shalt  }
0x5e: {  	_ =	shalt  }
0x5f: {  	_ =	shalt  }
0x60: {  	_ =	shalt  }
0x61: {  	_ =	shalt  }
0x62: {  	_ =	shalt  }
0x63: {  	_ =	shalt  }
0x64: {  	_ =	shalt  }
0x65: {  	_ =	shalt  }
0x66: {  	_ =	shalt  }
0x67: {  	_ =	shalt  }
0x68: {  	_ =	shalt  }
0x69: {  	_ =	shalt  }
0x6a: {  	_ =	shalt  }
0x6b: {  	_ =	shalt  }
0x6c: {  	_ =	shalt  }
0x6d: {  	_ =	shalt  }
0x6e: {  	_ =	shalt  }
0x6f: {  	_ =	shalt  }
0x70: {  	_ =	shalt  }
0x71: {  	_ =	shalt  }
0x72: {  	_ =	shalt  }
0x73: {  	_ =	shalt  }
0x74: {  	_ =	shalt  }
0x75: {  	_ =	shalt  }
0x76: {  	_ =	shalt  }
0x77: {  	_ =	shalt  }
0x78: {  	_ =	shalt  }
0x79: {  	_ =	shalt  }
0x7a: {  	_ =	shalt  }
0x7b: {  	_ =	shalt  }
0x7c: {  	_ =	shalt  }
0x7d: {  	_ =	shalt  }
0x7e: {  	_ =	shalt  }
0x7f: {  	_ =	shalt  }
0x80: {  	_ =	shalt  }
0x81: {  	_ =	shalt  }
0x82: {  	_ =	shalt  }
0x83: {  	_ =	shalt  }
0x84: {  	_ =	shalt  }
0x85: {  	_ =	shalt  }
0x86: {  	_ =	shalt  }
0x87: {  	_ =	shalt  }
.Lfunc_end0:
.L_simem_size_0:
called_computation_lowered:
.L_overlay_start_0:
0x88: {  	s2 =	sld [smem:$0x3FD9]  }
0x89: {  	s3 =	sld [smem:$0x3FFE];
	_ =	sdelay $0x1  }
0x8a: {  	s1 =	srdreg.scid  }
0x8b: {  	s0 =	sand.u32 $0x1, s1  }
0x8c: {  	s16 =	sshll.u32 s0, $0xA;
	s2 =	sadd.s32 s3, s2  }
0x8d: {  	s2 =	sadd.s32 s2, s16  }
0x8e: {  	[smem:$0x3FB9] =	sst s2  }
0x8f: {  	_ = 	snop  }
0x90: {  	(tm) =	ssettm $0x1  }
0x91: {  	s17 =	sld [smem:$0x3FFB];
	_ =	sdelay $0x3  }
0x92: {  	_ =	strace s17  }
0x93: {  	s2 =	sld [smem:$0x3FFC];
	_ =	sdelay $0x3  }
0x94: {  	_ =	strace s2  }
0x95: {  	s2 =	sld [smem:$0x3FFD];
	_ =	sdelay $0x3  }
0x96: {  	_ =	strace s2  }
0x97: {  	_ =	strace $0x8FFFFFFF  }
0x98: {  	s18 =	sld [smem:$0x3FDB];
	_ =	sdelay $0x1  }
0x99: {  	s19 =	simm.s32 $_scs_section_size  }
0x9a: {  	s4 =	simm.s32 $_size__tile_overlayer_lowered;
	s5 =	simm.s32 $_tile_overlayer_lowered  }
0x9b: {  	s22 =	simm.s32 $0x1BFF;
	s21 =	sshll.u32 s5, $0x1;
	s2 =	sadd.s32 s19, s18  }
0x9c: {  	s6 =	simm.s32 $0x0;
	s20 =	sshll.u32 s4, $0x1;
	s4 =	sadd.s32 s21, s2  }
0x9d: {  	[timem:s6], [sflag:s22] =	dma.local [hbm:s4], s20  }
0x9e: {  	_ =	swait.ge [sflag:s22], s20  }
0x9f: {  	s3 =	ssub.s32 $0x0, s20;
	[sflag:s22] =	ssyncset.done $0x0  }
0xa0: {  	[sflag:s22] =	ssyncadd.s32 s3;
	_ =	sdelay $0x1  }
0xa1: {  	s23 =	simm.s32 $0x1B8B  }
0xa2: {  	_ =	swait.ge [sflag:s23], $0x1  }
0xa3: {  	[sflag:s23] =	ssyncset.done $0x0  }
0xa4: {  	s25 =	simm.s32 $0x1B8E;
	s24 =	sld [smem:$0x3FFE];
	[sflag:s23] =	ssyncadd.s32 $0xFFFFFFFF  }
0xa5: {  	s26 =	simm.s32 $execute0_lowered;
	[smem:$0x3FD2] =	sst s25  }
0xa6: {  	s4 =	sshll.u32 s26, $0x1;
	_ =	strace $0x80000046;
	[dreg:$0x1] =	wrdreg $0xFFFFFFFF  }
0xa7: {  	s28 =	simm.s32 $_size_execute0_lowered;
	s2 =	sadd.s32 s2, s4;
	[dreg:$0x0] =	wrdreg $0x0  }
0xa8: {  	s4 =	sshll.u32 s28, $0x1;
	[dreg:$0x2] =	wrdreg s2  }
0xa9: {  	[dreg:$0x3] =	wrdreg s4  }
0xaa: {  	[dreg:$0x4] =	wrdreg $0xC0  }
0xab: {  	_ =	task [dreg:s6], $0x5FFFF  }
0xac: {  	[dreg:$0x1] =	wrdreg $0xFFFFFFFF  }
0xad: {  	[dreg:$0x0] =	wrdreg $0x60  }
0xae: {  	[dreg:$0x2] =	wrdreg s24  }
0xaf: {  	[dreg:$0x3] =	wrdreg $0x120000  }
0xb0: {  	[dreg:$0x4] =	wrdreg $0x9  }
0xb1: {  	_ =	task.clear_ibuf [dreg:s6], $0x5FFFF;
	_ =	strace $0x90000046  }
0xb2: {  	s29 =	simm.s32 $0x9;
	_ =	strace $0x80000048  }
0xb3: {  	_ =	swait.ge [sflag:s29], $0x1  }
0xb4: {  	[sflag:s29] =	ssyncadd.s32 $0xFFFFFFFF  }
0xb5: {  	_ =	strace $0x90000048  }
0xb6: {  	_ =	sfence  }
0xb7: {  	s30 =	sld [smem:$0x0];
	_ =	sdelay $0x2  }
0xb8: {  	s31 =	sshll.u32 s1, $0xD;
	s1 =	sshrl.u32 s1, $0x2  }
0xb9: {  	s3 =	sand.u32 $0x4000, s31;
	s1 =	sadd.s32 s1, s30  }
0xba: {  	s0 =	sor.u32 s3, s0;
	s1 =	sshll.u32 s1, $0x11  }
0xbb: {  	s0 =	sor.u32 s1, s0  }
0xbc: {  	s0 =	sadd.s32 $0x8F2B, s0  }
0xbd: {  	[sflag:s0] =	ssyncadd.remote.s32 $0x1  }
0xbe: {  	_ =	sfence.sel $0xFFFF  }
0xbf: {  	[dreg:$0x0] =	wrdreg $0xFFFFFFFF;
	(pc) =	sbr.abs _section_cstart, $3  }
0xc0: {  	[dreg:$0x1] =	wrdreg $0xFFFFFFFF  }
0xc1: {  	_ =	task.clear_ibuf [dreg:s6], $0x2FFFF;
	_ =	strace $0x9FFFFFFF  }
0xc2: {  	(tm) =	ssettm $0x7FFFFFFF  }
0xc3: {  	_ =	shalt  }
tec
execute0_lowered:
.L_overlay_start_1:
0x0: {  	(tag) =	ssettag $0x1  }
0x1: {  	s5 =	rddreg [dreg:$0x0]  }
0x2: {  	s2 =	rddreg [dreg:$0x1]  }
0x3: {  	s0 =	rddreg [dreg:$0x2]  }
0x4: {  	s1 =	stileid.u32;
	s4 =	srdreg.scid  }
0x5: {  	s3 =	simm.s32 $0x0;
	s15 =	simm.s32 $0x1;
	s16 =	simm.s32 $0x2  }
0x6: {  	s17 =	simm.s32 $0x0;
	s6 =	smul.u32 $0xC400, s1;
	s7 =	sand.u32 $0x1, s4  }
0x7: {  	[smem:$0x7FF] =	sst s3;
	s4 =	sadd.s32 $0x1800, s5;
	s12 =	sshll.u32 s1, $0x6  }
0x8: {  	s8 =	smul.u32 $0xC4000, s7;
	_ =	strace $0x80000047;
	s11 =	ssub.s32 $0x2, s7  }
0x9: {  	s13 =	smul.u32 $0x6200, s7;
	s9 =	sadd.s32 s6, s5;
	s10 =	sshrl.u32 s6, $0x3  }
0xa: {  	s30 =	sshrl.u32 s11, $0x1;
	s14 =	sadd.s32 s6, s2;
	s8 =	sadd.s32 s6, s8  }
0xb: {  	s10 =	sadd.s32 s10, s5;
	s11 =	ssub.s32 s11, s30;
	s6 =	sor.u32 $0x1C03, s12  }
0xc: {  	s31 =	sadd.s32 s13, s9;
	s12 =	simm.s32 $0x3;
	s8 =	sshrl.u32 s8, $0x3  }
0xd: {  	s9 =	sadd.s32 $0x3D2400, s31;
	s8 =	sadd.s32 s8, s5;
	s5 =	sadd.s32 $0x127400, s10  }
0xe: {  	s13 =	simm.s32 $0x1000;
	s10 =	sadd.s32 $0x63400, s31;
	s7 =	sadd.s32 $0x13FC00, s8  }
0xf: {  	s8 =	smax.u32 s11, $0x1;
	s11 =	sshrl.u32 s14, $0x3;
	s14 =	simm.s32 $0x2000  }
.LBB2_1:
0x10: {  	[spmem:s11], [sflag:s6] =	dma.local [hbm:s5], $0x1880  }
0x11: {  	_ =	swait.ge [sflag:s12], $0x1880  }
0x12: {  	[sflag:s12] =	ssyncset.done $0x0  }
0x13: {  	[sflag:s12] =	ssyncadd.s32 $0xFFFFE780  }
0x14: {  	s18 =	sadd.s32 $0x0, s10;
	[bflag:$0x0] =	sbarrier.arrive $0xFFFF  }
0x15: {  	[tilespmem:s3], [sflag:$0x3] =	stream.linear.gather [hbm4b:s18+s3], $0x1000, $0x38;
	[tilespmem:$0x1E400] =	vst v63  }
0x16: {  	_ =	swait.ge [sflag:s12], $0x1000  }
0x17: {  	[sflag:s12] =	ssyncset.done $0x0  }
0x18: {  	s31 =	sadd.s32 $0x0, s9;
	[sflag:s12] =	ssyncadd.s32 $0xFFFFF000  }
0x19: {  	[tilespmem:s13], [sflag:$0x3] =	stream.linear.gather [hbm4b:s31+s3], $0x1000, $0x38;
	[tilespmem:$0x1E400] =	vst v63  }
0x1a: {  	_ =	swait.ge [sflag:s12], $0x1000  }
0x1b: {  	[sflag:s12] =	ssyncset.done $0x0  }
0x1c: {  	[sflag:s12] =	ssyncadd.s32 $0xFFFFF000  }
0x1d: {  	[tilespmem:s14], [sflag:$0x1] =	stream.indirect.gather [hbm4b:s4+s13], $0x10, s3, s13, $0xb8;
	[tilespmem:$0x1E400] =	vst v63  }
0x1e: {  	_ =	swait.ge [sflag:s15], $0x10000  }
0x1f: {  	[sflag:s15] =	ssyncset.done $0x0  }
0x20: {  	[sflag:s15] =	ssyncadd.s32 $0xFFFF0000  }
0x21: {  	[spmem:s2] =	stream.indirect.scatter.add.f32 [tilespmem:s14], [sflag:$0x2], $0x10, s13, s13, $0xb8;
	[tilespmem:$0x1E400] =	vst v63  }
0x22: {  	_ =	swait.ge [sflag:s16], $0x10000  }
0x23: {  	s19 =	simm.s32 $0x400;
	s18 =	simm.s32 $0x200;
	[sflag:s16] =	ssyncset.done $0x0  }
.LBB2_2:
0x24: {  	s20 =	sadd.s32 s18, s10  }
0x25: {  	[sflag:s16] =	ssyncadd.s32 $0xFFFF0000;
	s21 =	smov.u32 s19;
	s22 =	sadd.s32 $0x200, s19  }
0x26: {  	[tilespmem:s3], [sflag:$0x3] =	stream.linear.gather [hbm4b:s20+s3], $0x1000, $0x38;
	[tilespmem:$0x1E400] =	vst v63  }
0x27: {  	p0 =	sne.s32 s19, $0x6000;
	_ =	swait.ge [sflag:s12], $0x1000  }
0x28: {  	[sflag:s12] =	ssyncset.done $0x0  }
0x29: {  	s19 =	sadd.s32 s18, s9;
	s18 =	smov.u32 s21;
	[sflag:s12] =	ssyncadd.s32 $0xFFFFF000  }
0x2a: {  	[tilespmem:s13], [sflag:$0x3] =	stream.linear.gather [hbm4b:s19+s3], $0x1000, $0x38;
	[tilespmem:$0x1E400] =	vst v63  }
0x2b: {  	_ =	swait.ge [sflag:s12], $0x1000  }
0x2c: {  	[sflag:s12] =	ssyncset.done $0x0  }
0x2d: {  	[sflag:s12] =	ssyncadd.s32 $0xFFFFF000  }
0x2e: {  	[tilespmem:s14], [sflag:$0x1] =	stream.indirect.gather [hbm4b:s4+s13], $0x10, s3, s13, $0xb8;
	[tilespmem:$0x1E400] =	vst v63  }
0x2f: {  	_ =	swait.ge [sflag:s15], $0x10000  }
.Ltmp0:
0x30: {  	[sflag:s15] =	ssyncset.done $0x0;
	(pc) =	sbr.rel @p0 .LBB2_2-.Ltmp0, $4  }
0x31: {  	[sflag:s15] =	ssyncadd.s32 $0xFFFF0000  }
0x32: {  	[spmem:s2] =	stream.indirect.scatter.add.f32 [tilespmem:s14], [sflag:$0x2], $0x10, s13, s13, $0xb8;
	[tilespmem:$0x1E400] =	vst v63  }
0x33: {  	_ =	swait.ge [sflag:s16], $0x10000  }
0x34: {  	s19 =	smov.u32 s22;
	[sflag:s16] =	ssyncset.done $0x0  }
0x35: {  	s19 =	sadd.s32 s18, s10;
	[sflag:s16] =	ssyncadd.s32 $0xFFFF0000  }
0x36: {  	[tilespmem:s3], [sflag:$0x3] =	stream.linear.gather [hbm4b:s19+s3], $0x1000, $0x38;
	[tilespmem:$0x1E400] =	vst v63  }
0x37: {  	_ =	swait.ge [sflag:s12], $0x1000  }
0x38: {  	[sflag:s12] =	ssyncset.done $0x0  }
0x39: {  	s31 =	sadd.s32 s18, s9;
	[sflag:s12] =	ssyncadd.s32 $0xFFFFF000  }
0x3a: {  	[tilespmem:s13], [sflag:$0x3] =	stream.linear.gather [hbm4b:s31+s3], $0x1000, $0x38;
	[tilespmem:$0x1E400] =	vst v63  }
0x3b: {  	_ =	swait.ge [sflag:s12], $0x1000  }
0x3c: {  	[sflag:s12] =	ssyncset.done $0x0  }
0x3d: {  	[sflag:s12] =	ssyncadd.s32 $0xFFFFF000  }
0x3e: {  	[tilespmem:s14], [sflag:$0x1] =	stream.indirect.gather [hbm4b:s4+s13], $0x10, s3, s13, $0xb8;
	[tilespmem:$0x1E400] =	vst v63  }
0x3f: {  	_ =	swait.ge [sflag:s15], $0x10000  }
0x40: {  	[sflag:s15] =	ssyncset.done $0x0  }
0x41: {  	[sflag:s15] =	ssyncadd.s32 $0xFFFF0000  }
0x42: {  	[spmem:s2] =	stream.indirect.scatter.add.f32 [tilespmem:s14], [sflag:$0x2], $0x10, s13, s13, $0xb8;
	[tilespmem:$0x1E400] =	vst v63  }
0x43: {  	_ =	swait.ge [sflag:s16], $0x10000  }
0x44: {  	s17 =	sadd.s32 $0x1, s17;
	[sflag:s16] =	ssyncset.done $0x0  }
0x45: {  	p0 =	sne.s32 s17, s8;
	[sflag:s16] =	ssyncadd.s32 $0xFFFF0000  }
.Ltmp1:
0x46: {  	[bflag:$0x0] =	sbarrier.arrive $0xFFFF;
	(pc) =	sbr.rel @p0 .LBB2_1-.Ltmp1, $4  }
0x47: {  	[hbm:s7], [sflag:s6] =	dma.local [spmem:s11], $0x1880  }
0x48: {  	_ =	swait.ge [sflag:s12], $0x1880  }
0x49: {  	[sflag:s12] =	ssyncset.done $0x0  }
0x4a: {  	[sflag:s12] =	ssyncadd.s32 $0xFFFFE780  }
0x4b: {  	_ =	sfence.sel $0x180000  }
0x4c: {  	[bflag:$0x0] =	sbarrier.arrive $0xFFFF  }
0x4d: {  	p0 =	sne.s32 s1, $0x0;
	_ =	strace $0x90000047  }
0x4e: {  	s0 =	sadd.s32 @!p0 $0x100000, s0;
	[bflag:$0x2] =	sbarrier.arrive $0xFFFF  }
0x4f: {  	[sflag:s0] =	ssyncadd.tile.s32 @!p0 $0x1;
	_ =	shalt  }
.Lfunc_end2:
_tile_overlayer_lowered:
.L_overlay_start_2:
0x50: {  	(tag) =	ssettag $0x2  }
0x51: {  	s0 =	rddreg [dreg:$0x0];
	s2 =	stileid.u32  }
0x52: {  	s1 =	rddreg [dreg:$0x1];
	p0 =	sne.s32 s2, $0x0  }
0x53: {  	s3 =	rddreg [dreg:$0x2];
	[bflag:$0x3] =	sbarrier.arrive $0xFFFF;
	s2 =	simm.s32 @!p0 $0x1C03  }
0x54: {  	[timem:s3], [sflag:s2] =	dma.local @!p0 [hbm:s0], s1  }
0x55: {  	s0 =	simm.s32 @!p0 $0x3  }
0x56: {  	_ =	swait.ge @!p0 [sflag:s0], s1  }
0x57: {  	s1 =	ssub.s32 @!p0 $0x0, s1;
	[sflag:s0] =	ssyncset.done @!p0 $0x0  }
0x58: {  	[sflag:s0] =	ssyncadd.s32 @!p0 s1  }
0x59: {  	[bflag:$0x3] =	sbarrier.arrive $0xFFFF  }
0x5a: {  	_ =	shalt  }

</sc_bundles>
